<compile_context>
chip_gen: v7x
topology: tpu7x:2x2x1
jax: 0.10.2.dev20260603
libtpu: 0.0.44.dev20260713+nightly
codegen_flags: <defaults>
</compile_context>

<pallas_src>
import functools

import jax
import jax.numpy as jnp
from jax import lax
from jax.experimental import pallas as pl
from jax.experimental.pallas import tpu as pltpu
from jax.experimental.pallas import tpu_sc as plsc

NC, NS, LANES = 2, 16, 16
NW = NC * NS
B = 4096
D = 512
T = 512
TBL = 1024
BPW = B // NW


def _mlp_table_body(pe_ref, w1_ref, b1_ref, w2_ref, b2_ref, out_ref):
    x = pe_ref[:, 0, :]
    h = jnp.dot(x, w1_ref[...], preferred_element_type=jnp.float32) + b1_ref[...]
    h = h * jax.nn.sigmoid(h)
    out_ref[...] = (
        jnp.dot(h, w2_ref[...], preferred_element_type=jnp.float32) + b2_ref[...]
    )


@functools.cache
def _sc_gather():
    mesh = plsc.VectorSubcoreMesh(core_axis_name="c", subcore_axis_name="s")

    @functools.partial(
        pl.kernel,
        out_type=jax.ShapeDtypeStruct((B, T), jnp.float32),
        mesh=mesh,
        scratch_types=[
            pltpu.VMEM((BPW,), jnp.float32),
            pltpu.VMEM((BPW,), jnp.int32),
            pltpu.VMEM((BPW, T), jnp.float32),
            pltpu.SemaphoreType.DMA,
        ],
    )
    def body(ts_hbm, table_hbm, out_hbm, ts_v, idx_v, rows_v, gsem):
        wid = lax.axis_index("s") * NC + lax.axis_index("c")
        base = wid * BPW
        pltpu.sync_copy(ts_hbm.at[pl.ds(base, BPW)], ts_v)
        for i in range(BPW // LANES):
            t = ts_v[pl.ds(i * LANES, LANES)]
            idx_v[pl.ds(i * LANES, LANES)] = (t * 1000.0).astype(jnp.int32)
        pltpu.async_copy(table_hbm.at[idx_v], rows_v, gsem).wait()
        pltpu.sync_copy(rows_v, out_hbm.at[pl.ds(base, BPW)])

    return body


@jax.jit
def kernel(timesteps, pe, W1, b1, W2, b2):
    table = pl.pallas_call(
        _mlp_table_body,
        grid=(1,),
        in_specs=[
            pl.BlockSpec((TBL, 1, D), lambda i: (0, 0, 0)),
            pl.BlockSpec((D, T), lambda i: (0, 0)),
            pl.BlockSpec((1, T), lambda i: (0, 0)),
            pl.BlockSpec((T, T), lambda i: (0, 0)),
            pl.BlockSpec((1, T), lambda i: (0, 0)),
        ],
        out_specs=pl.BlockSpec((TBL, T), lambda i: (0, 0)),
        out_shape=jax.ShapeDtypeStruct((TBL, T), jnp.float32),
    )(pe, W1, b1.reshape(1, T), W2, b2.reshape(1, T))
    return _sc_gather()(timesteps, table)

# --- scband reference (transcript-rebuilt; emitter-appended) ---
"""Pipeline reference for scband-timestep-embedder-41377714929766 (READ-ONLY COPY).

The authoritative reference and input builder live on the scoring server;
editing this copy changes nothing except your own understanding.
"""

import jax, jax.numpy as jnp
import numpy as np


def setup_inputs(seed: int = 0) -> dict:
    key = jax.random.key(seed)
    k1, k2, k3, k4 = jax.random.split(key, 4)
    B = 4096      # batch of diffusion timesteps
    D = 512       # latent_dim
    T = 512       # time_embed_dim
    L = 5000      # pe table max_len (>= time_resolution)
    timesteps = jax.random.uniform(k1, (B,), dtype=jnp.float32)  # in [0,1)
    pe = jax.random.normal(k2, (L, 1, D), dtype=jnp.float32)      # sequence_pos_encoder.pe buffer [max_len, 1, d]
    W1 = jax.random.normal(k3, (D, T), dtype=jnp.float32) * (1.0 / np.sqrt(D))
    b1 = jnp.zeros((T,), jnp.float32)
    W2 = jax.random.normal(k4, (T, T), dtype=jnp.float32) * (1.0 / np.sqrt(T))
    b2 = jnp.zeros((T,), jnp.float32)
    return {"timesteps": timesteps, "pe": pe, "W1": W1, "b1": b1, "W2": W2, "b2": b2}


def reference(timesteps, pe, W1, b1, W2, b2):
    time_resolution = 1000.0
    idx = (timesteps * time_resolution).astype(jnp.int32)   # .long() cast
    emb = jnp.take(pe, idx, axis=0)                          # pe[timesteps] -> [B, 1, D]
    h = jax.nn.silu(emb @ W1 + b1)                           # Linear -> SiLU
    out = h @ W2 + b2                                        # Linear
    return jnp.squeeze(out)                                  # -> [B, T]

if __name__ == "__main__":
    import jax
    _d = setup_inputs()
    print(jax.jit(kernel)(*tuple(_d.values())))

</pallas_src>

<mosaic_0001>
#map = affine_map<(d0, d1) -> (0)>
#map1 = affine_map<(d0, d1) -> (0, 0)>
module attributes {stable_mosaic.version = 14 : i64} {
  func.func @body(%arg0: i32, %arg1: i32, %arg2: memref<4096xf32, #tpu.memory_space<hbm>>, %arg3: memref<1024x512xf32, #tpu.memory_space<hbm>>, %arg4: memref<4096x512xf32, #tpu.memory_space<hbm>>, %arg5: memref<128xf32, #tpu.memory_space<vmem>>, %arg6: memref<128xi32, #tpu.memory_space<vmem>>, %arg7: memref<128x512xf32, #tpu.memory_space<vmem>>, %arg8: memref<!tpu.dma_semaphore, #tpu.memory_space<semaphore_mem>>) attributes {dimension_semantics = [#tpu.dimension_semantics<core_parallel>, #tpu.dimension_semantics<subcore_parallel>], iteration_bounds = array<i64: 2, 16>, scalar_prefetch = 0 : i64, scratch_operands = 4 : i64, tpu.core_type = #tpu.core_type<sc_vector_subcore>, window_params = [{transform_indices = #map}, {transform_indices = #map1}, {transform_indices = #map1}]} {
    %mul3A = arith.constant 2 : i32
    %mul3A_0 = arith.muli %arg1, %mul3A : i32
    %add3A = arith.addi %mul3A_0, %arg0 : i32
    %mul3A_1 = arith.constant 128 : i32
    %mul3A_2 = arith.muli %add3A, %mul3A_1 : i32
    "tpu.region"() ({
      %run_scoped3A = tpu.sem_alloc : memref<!tpu.dma_semaphore, #tpu.memory_space<semaphore_mem>>
      %dma_start3A_92 = tpu.memref_slice %arg2[%mul3A_2] : memref<4096xf32, #tpu.memory_space<hbm>> -> memref<128xf32, #tpu.memory_space<hbm>>
      %dma_start3A_93 = tpu.memref_slice %arg2[%mul3A_2] : memref<4096xf32, #tpu.memory_space<hbm>> -> memref<128xf32, #tpu.memory_space<hbm>>
      tpu.enqueue_dma source(%dma_start3A_93 : memref<128xf32, #tpu.memory_space<hbm>>) target(%arg5 : memref<128xf32, #tpu.memory_space<vmem>>) target_semaphore(%run_scoped3A : memref<!tpu.dma_semaphore, #tpu.memory_space<semaphore_mem>>)
      %dma_wait3A_94 = tpu.memref_slice %arg2[%mul3A_2] : memref<4096xf32, #tpu.memory_space<hbm>> -> memref<128xf32, #tpu.memory_space<hbm>>
      %dma_wait3A_95 = tpu.memref_slice %arg2[%mul3A_2] : memref<4096xf32, #tpu.memory_space<hbm>> -> memref<128xf32, #tpu.memory_space<hbm>>
      tpu.wait_dma2 semaphore(%run_scoped3A : memref<!tpu.dma_semaphore, #tpu.memory_space<semaphore_mem>>) src(%dma_wait3A_95 : memref<128xf32, #tpu.memory_space<hbm>>) dst(%arg5 : memref<128xf32, #tpu.memory_space<vmem>>)
      tpu.yield
    }) : () -> ()
    %get3A = arith.constant 0 : index
    %get3A_3 = tpu.vector_load %arg5[%get3A] {strides = array<i32>} : memref<128xf32, #tpu.memory_space<vmem>>, vector<16xf32>,
    %get3A_4 = vector.shape_cast %get3A_3 : vector<16xf32> to vector<16xf32>
    %mul3A_5 = arith.constant 1.000000e+03 : f32
    %mul3A_6 = vector.broadcast %mul3A_5 : f32 to vector<16xf32>
    %mul3A_7 = arith.mulf %get3A_4, %mul3A_6 : vector<16xf32>
    %convert_element_type3A = arith.fptosi %mul3A_7 : vector<16xf32> to vector<16xi32>
    %swap3A = arith.constant 0 : index
    %swap3A_8 = tpu.vector_load %arg6[%swap3A] {strides = array<i32>} : memref<128xi32, #tpu.memory_space<vmem>>, vector<16xi32>,
    %swap3A_9 = vector.shape_cast %swap3A_8 : vector<16xi32> to vector<16xi32>
    %swap3A_10 = vector.shape_cast %convert_element_type3A : vector<16xi32> to vector<16xi32>
    tpu.vector_store %arg6[%swap3A], %swap3A_10 {strides = array<i32>} : memref<128xi32, #tpu.memory_space<vmem>>, vector<16xi32>,
    %get3A_11 = arith.constant 16 : index
    %get3A_12 = tpu.vector_load %arg5[%get3A_11] {strides = array<i32>} : memref<128xf32, #tpu.memory_space<vmem>>, vector<16xf32>,
    %get3A_13 = vector.shape_cast %get3A_12 : vector<16xf32> to vector<16xf32>
    %mul3A_14 = arith.constant 1.000000e+03 : f32
    %mul3A_15 = vector.broadcast %mul3A_14 : f32 to vector<16xf32>
    %mul3A_16 = arith.mulf %get3A_13, %mul3A_15 : vector<16xf32>
    %convert_element_type3A_17 = arith.fptosi %mul3A_16 : vector<16xf32> to vector<16xi32>
    %swap3A_18 = arith.constant 16 : index
    %swap3A_19 = tpu.vector_load %arg6[%swap3A_18] {strides = array<i32>} : memref<128xi32, #tpu.memory_space<vmem>>, vector<16xi32>,
    %swap3A_20 = vector.shape_cast %swap3A_19 : vector<16xi32> to vector<16xi32>
    %swap3A_21 = vector.shape_cast %convert_element_type3A_17 : vector<16xi32> to vector<16xi32>
    tpu.vector_store %arg6[%swap3A_18], %swap3A_21 {strides = array<i32>} : memref<128xi32, #tpu.memory_space<vmem>>, vector<16xi32>,
    %get3A_22 = arith.constant 32 : index
    %get3A_23 = tpu.vector_load %arg5[%get3A_22] {strides = array<i32>} : memref<128xf32, #tpu.memory_space<vmem>>, vector<16xf32>,
    %get3A_24 = vector.shape_cast %get3A_23 : vector<16xf32> to vector<16xf32>
    %mul3A_25 = arith.constant 1.000000e+03 : f32
    %mul3A_26 = vector.broadcast %mul3A_25 : f32 to vector<16xf32>
    %mul3A_27 = arith.mulf %get3A_24, %mul3A_26 : vector<16xf32>
    %convert_element_type3A_28 = arith.fptosi %mul3A_27 : vector<16xf32> to vector<16xi32>
    %swap3A_29 = arith.constant 32 : index
    %swap3A_30 = tpu.vector_load %arg6[%swap3A_29] {strides = array<i32>} : memref<128xi32, #tpu.memory_space<vmem>>, vector<16xi32>,
    %swap3A_31 = vector.shape_cast %swap3A_30 : vector<16xi32> to vector<16xi32>
    %swap3A_32 = vector.shape_cast %convert_element_type3A_28 : vector<16xi32> to vector<16xi32>
    tpu.vector_store %arg6[%swap3A_29], %swap3A_32 {strides = array<i32>} : memref<128xi32, #tpu.memory_space<vmem>>, vector<16xi32>,
    %get3A_33 = arith.constant 48 : index
    %get3A_34 = tpu.vector_load %arg5[%get3A_33] {strides = array<i32>} : memref<128xf32, #tpu.memory_space<vmem>>, vector<16xf32>,
    %get3A_35 = vector.shape_cast %get3A_34 : vector<16xf32> to vector<16xf32>
    %mul3A_36 = arith.constant 1.000000e+03 : f32
    %mul3A_37 = vector.broadcast %mul3A_36 : f32 to vector<16xf32>
    %mul3A_38 = arith.mulf %get3A_35, %mul3A_37 : vector<16xf32>
    %convert_element_type3A_39 = arith.fptosi %mul3A_38 : vector<16xf32> to vector<16xi32>
    %swap3A_40 = arith.constant 48 : index
    %swap3A_41 = tpu.vector_load %arg6[%swap3A_40] {strides = array<i32>} : memref<128xi32, #tpu.memory_space<vmem>>, vector<16xi32>,
    %swap3A_42 = vector.shape_cast %swap3A_41 : vector<16xi32> to vector<16xi32>
    %swap3A_43 = vector.shape_cast %convert_element_type3A_39 : vector<16xi32> to vector<16xi32>
    tpu.vector_store %arg6[%swap3A_40], %swap3A_43 {strides = array<i32>} : memref<128xi32, #tpu.memory_space<vmem>>, vector<16xi32>,
    %get3A_44 = arith.constant 64 : index
    %get3A_45 = tpu.vector_load %arg5[%get3A_44] {strides = array<i32>} : memref<128xf32, #tpu.memory_space<vmem>>, vector<16xf32>,
    %get3A_46 = vector.shape_cast %get3A_45 : vector<16xf32> to vector<16xf32>
    %mul3A_47 = arith.constant 1.000000e+03 : f32
    %mul3A_48 = vector.broadcast %mul3A_47 : f32 to vector<16xf32>
    %mul3A_49 = arith.mulf %get3A_46, %mul3A_48 : vector<16xf32>
    %convert_element_type3A_50 = arith.fptosi %mul3A_49 : vector<16xf32> to vector<16xi32>
    %swap3A_51 = arith.constant 64 : index
    %swap3A_52 = tpu.vector_load %arg6[%swap3A_51] {strides = array<i32>} : memref<128xi32, #tpu.memory_space<vmem>>, vector<16xi32>,
    %swap3A_53 = vector.shape_cast %swap3A_52 : vector<16xi32> to vector<16xi32>
    %swap3A_54 = vector.shape_cast %convert_element_type3A_50 : vector<16xi32> to vector<16xi32>
    tpu.vector_store %arg6[%swap3A_51], %swap3A_54 {strides = array<i32>} : memref<128xi32, #tpu.memory_space<vmem>>, vector<16xi32>,
    %get3A_55 = arith.constant 80 : index
    %get3A_56 = tpu.vector_load %arg5[%get3A_55] {strides = array<i32>} : memref<128xf32, #tpu.memory_space<vmem>>, vector<16xf32>,
    %get3A_57 = vector.shape_cast %get3A_56 : vector<16xf32> to vector<16xf32>
    %mul3A_58 = arith.constant 1.000000e+03 : f32
    %mul3A_59 = vector.broadcast %mul3A_58 : f32 to vector<16xf32>
    %mul3A_60 = arith.mulf %get3A_57, %mul3A_59 : vector<16xf32>
    %convert_element_type3A_61 = arith.fptosi %mul3A_60 : vector<16xf32> to vector<16xi32>
    %swap3A_62 = arith.constant 80 : index
    %swap3A_63 = tpu.vector_load %arg6[%swap3A_62] {strides = array<i32>} : memref<128xi32, #tpu.memory_space<vmem>>, vector<16xi32>,
    %swap3A_64 = vector.shape_cast %swap3A_63 : vector<16xi32> to vector<16xi32>
    %swap3A_65 = vector.shape_cast %convert_element_type3A_61 : vector<16xi32> to vector<16xi32>
    tpu.vector_store %arg6[%swap3A_62], %swap3A_65 {strides = array<i32>} : memref<128xi32, #tpu.memory_space<vmem>>, vector<16xi32>,
    %get3A_66 = arith.constant 96 : index
    %get3A_67 = tpu.vector_load %arg5[%get3A_66] {strides = array<i32>} : memref<128xf32, #tpu.memory_space<vmem>>, vector<16xf32>,
    %get3A_68 = vector.shape_cast %get3A_67 : vector<16xf32> to vector<16xf32>
    %mul3A_69 = arith.constant 1.000000e+03 : f32
    %mul3A_70 = vector.broadcast %mul3A_69 : f32 to vector<16xf32>
    %mul3A_71 = arith.mulf %get3A_68, %mul3A_70 : vector<16xf32>
    %convert_element_type3A_72 = arith.fptosi %mul3A_71 : vector<16xf32> to vector<16xi32>
    %swap3A_73 = arith.constant 96 : index
    %swap3A_74 = tpu.vector_load %arg6[%swap3A_73] {strides = array<i32>} : memref<128xi32, #tpu.memory_space<vmem>>, vector<16xi32>,
    %swap3A_75 = vector.shape_cast %swap3A_74 : vector<16xi32> to vector<16xi32>
    %swap3A_76 = vector.shape_cast %convert_element_type3A_72 : vector<16xi32> to vector<16xi32>
    tpu.vector_store %arg6[%swap3A_73], %swap3A_76 {strides = array<i32>} : memref<128xi32, #tpu.memory_space<vmem>>, vector<16xi32>,
    %get3A_77 = arith.constant 112 : index
    %get3A_78 = tpu.vector_load %arg5[%get3A_77] {strides = array<i32>} : memref<128xf32, #tpu.memory_space<vmem>>, vector<16xf32>,
    %get3A_79 = vector.shape_cast %get3A_78 : vector<16xf32> to vector<16xf32>
    %mul3A_80 = arith.constant 1.000000e+03 : f32
    %mul3A_81 = vector.broadcast %mul3A_80 : f32 to vector<16xf32>
    %mul3A_82 = arith.mulf %get3A_79, %mul3A_81 : vector<16xf32>
    %convert_element_type3A_83 = arith.fptosi %mul3A_82 : vector<16xf32> to vector<16xi32>
    %swap3A_84 = arith.constant 112 : index
    %swap3A_85 = tpu.vector_load %arg6[%swap3A_84] {strides = array<i32>} : memref<128xi32, #tpu.memory_space<vmem>>, vector<16xi32>,
    %swap3A_86 = vector.shape_cast %swap3A_85 : vector<16xi32> to vector<16xi32>
    %swap3A_87 = vector.shape_cast %convert_element_type3A_83 : vector<16xi32> to vector<16xi32>
    tpu.vector_store %arg6[%swap3A_84], %swap3A_87 {strides = array<i32>} : memref<128xi32, #tpu.memory_space<vmem>>, vector<16xi32>,
    %dma_start3A = arith.constant 0 : i32
    %dma_start3A_88 = arith.constant 0 : i32
    %dma_start3A_89 = tpu.memref_slice %arg3[%dma_start3A, %dma_start3A_88] : memref<1024x512xf32, #tpu.memory_space<hbm>> -> memref<1024x512xf32, #tpu.memory_space<hbm>>
    tpu.enqueue_indirect_dma source(%dma_start3A_89 : memref<1024x512xf32, #tpu.memory_space<hbm>>) target(%arg7 : memref<128x512xf32, #tpu.memory_space<vmem>>) offsets(%arg6 : memref<128xi32, #tpu.memory_space<vmem>>) semaphore(%arg8 : memref<!tpu.dma_semaphore, #tpu.memory_space<semaphore_mem>>)
    %dma_wait3A = arith.constant 0 : i32
    %dma_wait3A_90 = arith.constant 0 : i32
    %dma_wait3A_91 = tpu.memref_slice %arg3[%dma_wait3A, %dma_wait3A_90] : memref<1024x512xf32, #tpu.memory_space<hbm>> -> memref<1024x512xf32, #tpu.memory_space<hbm>>
    tpu.wait_indirect_dma semaphore(%arg8 : memref<!tpu.dma_semaphore, #tpu.memory_space<semaphore_mem>>) src(%dma_wait3A_91 : memref<1024x512xf32, #tpu.memory_space<hbm>>) dst(%arg7 : memref<128x512xf32, #tpu.memory_space<vmem>>)
    "tpu.region"() ({
      %run_scoped3A = tpu.sem_alloc : memref<!tpu.dma_semaphore, #tpu.memory_space<semaphore_mem>>
      %dma_start3A_92 = arith.constant 0 : i32
      %dma_start3A_93 = tpu.memref_slice %arg4[%mul3A_2, %dma_start3A_92] : memref<4096x512xf32, #tpu.memory_space<hbm>> -> memref<128x512xf32, #tpu.memory_space<hbm>>
      %dma_start3A_94 = arith.constant 0 : i32
      %dma_start3A_95 = tpu.memref_slice %arg4[%mul3A_2, %dma_start3A_94] : memref<4096x512xf32, #tpu.memory_space<hbm>> -> memref<128x512xf32, #tpu.memory_space<hbm>>
      tpu.enqueue_dma source(%arg7 : memref<128x512xf32, #tpu.memory_space<vmem>>) target(%dma_start3A_95 : memref<128x512xf32, #tpu.memory_space<hbm>>) target_semaphore(%run_scoped3A : memref<!tpu.dma_semaphore, #tpu.memory_space<semaphore_mem>>)
      %dma_wait3A_96 = arith.constant 0 : i32
      %dma_wait3A_97 = tpu.memref_slice %arg4[%mul3A_2, %dma_wait3A_96] : memref<4096x512xf32, #tpu.memory_space<hbm>> -> memref<128x512xf32, #tpu.memory_space<hbm>>
      %dma_wait3A_98 = arith.constant 0 : i32
      %dma_wait3A_99 = tpu.memref_slice %arg4[%mul3A_2, %dma_wait3A_98] : memref<4096x512xf32, #tpu.memory_space<hbm>> -> memref<128x512xf32, #tpu.memory_space<hbm>>
      tpu.wait_dma2 semaphore(%run_scoped3A : memref<!tpu.dma_semaphore, #tpu.memory_space<semaphore_mem>>) src(%arg7 : memref<128x512xf32, #tpu.memory_space<vmem>>) dst(%dma_wait3A_99 : memref<128x512xf32, #tpu.memory_space<hbm>>)
      tpu.yield
    }) : () -> ()
    return
  }
}

module attributes {stable_mosaic.version = 14 : i64} {
  func.func @_mlp_table_body(%arg0: i32, %arg1: memref<1024x1x512xf32, #tpu.memory_space<vmem>>, %arg2: memref<512x512xf32, #tpu.memory_space<vmem>>, %arg3: memref<1x512xf32, #tpu.memory_space<vmem>>, %arg4: memref<512x512xf32, #tpu.memory_space<vmem>>, %arg5: memref<1x512xf32, #tpu.memory_space<vmem>>, %arg6: memref<1024x512xf32, #tpu.memory_space<vmem>>) attributes {dimension_semantics = [#tpu.dimension_semantics<arbitrary>], iteration_bounds = array<i64: 1>, scalar_prefetch = 0 : i64, scratch_operands = 0 : i64, tpu.core_type = #tpu.core_type<tc>, window_params = [{transform_indices = @transform_0, window_bounds = array<i64: 1024, 1, 512>}, {pipeline_mode = #tpu.pipeline_mode<synchronous>, transform_indices = @transform_1, window_bounds = array<i64: 512, 512>}, {pipeline_mode = #tpu.pipeline_mode<synchronous>, transform_indices = @transform_2, window_bounds = array<i64: 1, 512>}, {pipeline_mode = #tpu.pipeline_mode<synchronous>, transform_indices = @transform_3, window_bounds = array<i64: 512, 512>}, {pipeline_mode = #tpu.pipeline_mode<synchronous>, transform_indices = @transform_4, window_bounds = array<i64: 1, 512>}, {pipeline_mode = #tpu.pipeline_mode<synchronous>, transform_indices = @transform_5, window_bounds = array<i64: 1024, 512>}]} {
    %get3A = arith.constant 0 : index
    %get3A_0 = arith.constant 0 : index
    %get3A_1 = arith.constant 0 : index
    %get3A_2 = vector.load %arg1[%get3A, %get3A_0, %get3A_1] : memref<1024x1x512xf32, #tpu.memory_space<vmem>>, vector<1024x1x512xf32>
    %get3A_3 = vector.shape_cast %get3A_2 : vector<1024x1x512xf32> to vector<1024x512xf32>
    %get3A_4 = arith.constant 0 : index
    %get3A_5 = arith.constant 0 : index
    %get3A_6 = vector.load %arg2[%get3A_4, %get3A_5] : memref<512x512xf32, #tpu.memory_space<vmem>>, vector<512x512xf32>
    %dot_general3A = arith.constant dense<0.000000e+00> : vector<1024x512xf32>
    %dot_general3A_7 = tpu.matmul %get3A_3, %get3A_6, %dot_general3A {dimension_numbers = #tpu.dot_dimension_numbers<[1], [0], [0], [1], [0, 0, 1, 1], [], []>, transpose_lhs_hint = false} : vector<1024x512xf32>, vector<512x512xf32>, vector<1024x512xf32> -> vector<1024x512xf32>
    %get3A_8 = arith.constant 0 : index
    %get3A_9 = arith.constant 0 : index
    %get3A_10 = vector.load %arg3[%get3A_8, %get3A_9] : memref<1x512xf32, #tpu.memory_space<vmem>>, vector<1x512xf32>
    %add3A = vector.broadcast %get3A_10 : vector<1x512xf32> to vector<1024x512xf32>
    %add3A_11 = arith.addf %dot_general3A_7, %add3A : vector<1024x512xf32>
    %logistic3A = arith.negf %add3A_11 : vector<1024x512xf32>
    %logistic3A_12 = math.exp %logistic3A : vector<1024x512xf32>
    %logistic3A_13 = arith.constant 1.000000e+00 : f32
    %logistic3A_14 = vector.broadcast %logistic3A_13 : f32 to vector<1024x512xf32>
    %logistic3A_15 = arith.addf %logistic3A_14, %logistic3A_12 : vector<1024x512xf32>
    %logistic3A_16 = arith.divf %logistic3A_14, %logistic3A_15 : vector<1024x512xf32>
    %mul3A = arith.mulf %add3A_11, %logistic3A_16 : vector<1024x512xf32>
    %get3A_17 = arith.constant 0 : index
    %get3A_18 = arith.constant 0 : index
    %get3A_19 = vector.load %arg4[%get3A_17, %get3A_18] : memref<512x512xf32, #tpu.memory_space<vmem>>, vector<512x512xf32>
    %dot_general3A_20 = arith.constant dense<0.000000e+00> : vector<1024x512xf32>
    %dot_general3A_21 = tpu.matmul %mul3A, %get3A_19, %dot_general3A_20 {dimension_numbers = #tpu.dot_dimension_numbers<[1], [0], [0], [1], [0, 0, 1, 1], [], []>, transpose_lhs_hint = false} : vector<1024x512xf32>, vector<512x512xf32>, vector<1024x512xf32> -> vector<1024x512xf32>
    %get3A_22 = arith.constant 0 : index
    %get3A_23 = arith.constant 0 : index
    %get3A_24 = vector.load %arg5[%get3A_22, %get3A_23] : memref<1x512xf32, #tpu.memory_space<vmem>>, vector<1x512xf32>
    %add3A_25 = vector.broadcast %get3A_24 : vector<1x512xf32> to vector<1024x512xf32>
    %add3A_26 = arith.addf %dot_general3A_21, %add3A_25 : vector<1024x512xf32>
    %swap3A = arith.constant 0 : index
    %swap3A_27 = arith.constant 0 : index
    %swap3A_28 = vector.load %arg6[%swap3A, %swap3A_27] : memref<1024x512xf32, #tpu.memory_space<vmem>>, vector<1024x512xf32>
    tpu.vector_store %arg6[%swap3A, %swap3A_27], %add3A_26 {strides = array<i32>} : memref<1024x512xf32, #tpu.memory_space<vmem>>, vector<1024x512xf32>,
    return
  }
  func.func @transform_0(%arg0: i32) -> (i32, i32, i32) {
    %c0_i32 = arith.constant 0 : i32
    %c0_i32_0 = arith.constant 0 : i32
    %c0_i32_1 = arith.constant 0 : i32
    %c0_i32_2 = arith.constant 0 : i32
    return %c0_i32, %c0_i32_0, %c0_i32_1 : i32, i32, i32
  }
  func.func @transform_1(%arg0: i32) -> (i32, i32) {
    %c0_i32 = arith.constant 0 : i32
    %c0_i32_0 = arith.constant 0 : i32
    %c0_i32_1 = arith.constant 0 : i32
    return %c0_i32, %c0_i32_0 : i32, i32
  }
  func.func @transform_2(%arg0: i32) -> (i32, i32) {
    %c0_i32 = arith.constant 0 : i32
    %c0_i32_0 = arith.constant 0 : i32
    %c0_i32_1 = arith.constant 0 : i32
    return %c0_i32, %c0_i32_0 : i32, i32
  }
  func.func @transform_3(%arg0: i32) -> (i32, i32) {
    %c0_i32 = arith.constant 0 : i32
    %c0_i32_0 = arith.constant 0 : i32
    %c0_i32_1 = arith.constant 0 : i32
    return %c0_i32, %c0_i32_0 : i32, i32
  }
  func.func @transform_4(%arg0: i32) -> (i32, i32) {
    %c0_i32 = arith.constant 0 : i32
    %c0_i32_0 = arith.constant 0 : i32
    %c0_i32_1 = arith.constant 0 : i32
    return %c0_i32, %c0_i32_0 : i32, i32
  }
  func.func @transform_5(%arg0: i32) -> (i32, i32) {
    %c0_i32 = arith.constant 0 : i32
    %c0_i32_0 = arith.constant 0 : i32
    %c0_i32_1 = arith.constant 0 : i32
    return %c0_i32, %c0_i32_0 : i32, i32
  }
}

</mosaic_0001>

<sc_bundles>
// kernel: kernel.4.cloned.1.call-start
scs
__scs_entry_jumppad:
0x0: {  	(pc) =	sbr.rel $0x88, $3  }
0x1: {  	(tag) =	ssettag $0x0;
	lr =	simm.s32 $0x1  }
0x2: {  	[smem:$0x3F9B] =	sst lr;
	_ =	strace $0xD0000000  }
0x3: {  	_ = 	snop  }
0x4: {  	_ = 	snop  }
0x5: {  	_ = 	snop  }
0x6: {  	_ = 	snop  }
0x7: {  	_ = 	snop  }
__scs_overlays_trampoline_lowered:
0x8: {  	[smem:$0x3FAA] =	sst s0  }
0x9: {  	[smem:$0x3FAB] =	sst s1  }
0xa: {  	[smem:$0x3FAC] =	sst s2  }
0xb: {  	[smem:$0x3FAD] =	sst s3  }
0xc: {  	[smem:$0x3FAE] =	sst s4  }
0xd: {  	[smem:$0x3FAF] =	sst s5  }
0xe: {  	[smem:$0x3FB0] =	sst s6  }
0xf: {  	[smem:$0x3FB1] =	sst s7  }
0x10: {  	[smem:$0x3FB2] =	sst s8  }
0x11: {  	[smem:$0x3FB3] =	sst s9;
	s0 =	simm.s32 @!p0 $0x0  }
0x12: {  	s1 =	sld [smem:$0x3F99];
	s0 =	simm.s32 @p0 $0x1  }
0x13: {  	[smem:$0x3FB4] =	sst s0;
	s0 =	simm.s32 @!p1 $0x0  }
0x14: {  	s2 =	sld [smem:$0x3F98];
	s0 =	simm.s32 @p1 $0x1  }
0x15: {  	[smem:$0x3FB5] =	sst s0;
	s0 =	simm.s32 @!p2 $0x0  }
0x16: {  	s3 =	sld [smem:$0x3FDB];
	s0 =	simm.s32 @p2 $0x1  }
0x17: {  	s4 =	simm.s32 $0x1BF5;
	[smem:$0x3FB7] =	sst s0  }
0x18: {  	s0 =	sld [smem:$0x3F9A];
	_ =	swait.ge [sflag:s4], $0x0  }
0x19: {  	s7 =	sld [smem:$0x3F9B]  }
0x1a: {  	s8 =	sadd.s32 $0xFFFFE003, lr  }
0x1b: {  	s9 =	sadd.s32 $0xFFFFFEF7, lr;
	s5 =	simm.s32 $0xFFFFFFFF;
	p2 =	slt.u32 s8, $0xFFFFF086  }
0x1c: {  	p1 =	slt.u32 s9, $0xF7A;
	s5 =	simm.s32 @!p2 $0x0  }
0x1d: {  	s5 =	simm.s32 @p1 $0x1;
	p0 =	seq.s32 s7, s2  }
0x1e: {  	s7 =	smul.u32 @!p0 $0xF7A, s2;
	p2 =	seq.s32 @!p0 s5, $0x0  }
0x1f: {  	s9 =	smul.u32 $0xF7A, s1;
	s8 =	simm.s32 @!p0 $0x1BF5;
	p2 =	por !p2, p0  }
0x20: {  	[sflag:s8] =	ssyncset.s32 @!p0 $0xFFFFF086;
	s6 =	sadd.s32 @!p0 s3, s7;
	s7 =	simm.s32 @!p0 $0x108  }
0x21: {  	s3 =	sadd.s32 s3, s9;
	s6 =	sadd.s32 @!p0 $0x88, s6;
	s7 =	simm.s32 @p2 $0x1082  }
0x22: {  	[simem:s7], [sflag:s8] =	dma.local @!p0 [hbm:s6], $0xF7A  }
0x23: {  	s9 =	sor.u32 $0xD0000000, s2;
	s6 =	simm.s32 $0x108;
	_ =	swait.ge @!p0 [sflag:s8], $0x0  }
0x24: {  	s3 =	sadd.s32 $0x88, s3;
	s6 =	simm.s32 @!p1 $0x1082;
	[sflag:s4] =	ssyncset.s32 $0xFFFFF086  }
0x25: {  	[simem:s6], [sflag:s4] =	dma.local [hbm:s3], $0xF7A  }
0x26: {  	[smem:$0x3F9B] =	sst s1;
	(tag) =	ssettag s2;
	_ =	strace s9  }
0x27: {  	s1 =	sld [smem:$0x3FAB]  }
0x28: {  	s2 =	sld [smem:$0x3FAC]  }
0x29: {  	s4 =	sld [smem:$0x3FAE]  }
0x2a: {  	p0 =	seq.s32 s5, $0x0;
	s5 =	sld [smem:$0x3FAF]  }
0x2b: {  	s6 =	sld [smem:$0x3FB0]  }
0x2c: {  	s7 =	sld [smem:$0x3FB1]  }
0x2d: {  	s3 =	simm.s32 $0x108;
	s8 =	sld [smem:$0x3FB2]  }
0x2e: {  	s3 =	simm.s32 @!p0 $0x1082;
	s9 =	sld [smem:$0x3FB3]  }
0x2f: {  	lr =	sadd.s32 s0, s3;
	s0 =	sld [smem:$0x3FAA]  }
0x30: {  	s3 =	sld [smem:$0x3FAD]  }
0x31: {  	[smem:$0x3FB6] =	sst s10  }
0x32: {  	s10 =	sld [smem:$0x3FB4];
	_ =	sdelay $0x3  }
0x33: {  	p0 =	seq.s32 s10, $0x1;
	s10 =	sld [smem:$0x3FB6];
	_ =	sdelay $0x3  }
0x34: {  	[smem:$0x3FB6] =	sst s10  }
0x35: {  	s10 =	sld [smem:$0x3FB5];
	_ =	sdelay $0x3  }
0x36: {  	p1 =	seq.s32 s10, $0x1;
	s10 =	sld [smem:$0x3FB6];
	_ =	sdelay $0x3  }
0x37: {  	[smem:$0x3FB6] =	sst s10  }
0x38: {  	s10 =	sld [smem:$0x3FB7]  }
0x39: {  	_ = 	snop;
	(pc) =	sbr.ind lr, $3  }
0x3a: {  	_ = 	snop  }
0x3b: {  	_ = 	snop  }
0x3c: {  	p2 =	seq.s32 s10, $0x1;
	s10 =	sld [smem:$0x3FB6]  }
0x3d: {  	_ =	shalt  }
0x3e: {  	_ =	shalt  }
0x3f: {  	_ =	shalt  }
0x40: {  	_ =	shalt  }
0x41: {  	_ =	shalt  }
0x42: {  	_ =	shalt  }
0x43: {  	_ =	shalt  }
0x44: {  	_ =	shalt  }
0x45: {  	_ =	shalt  }
0x46: {  	_ =	shalt  }
0x47: {  	_ =	shalt  }
0x48: {  	_ =	shalt  }
0x49: {  	_ =	shalt  }
0x4a: {  	_ =	shalt  }
0x4b: {  	_ =	shalt  }
0x4c: {  	_ =	shalt  }
0x4d: {  	_ =	shalt  }
0x4e: {  	_ =	shalt  }
0x4f: {  	_ =	shalt  }
0x50: {  	_ =	shalt  }
0x51: {  	_ =	shalt  }
0x52: {  	_ =	shalt  }
0x53: {  	_ =	shalt  }
0x54: {  	_ =	shalt  }
0x55: {  	_ =	shalt  }
0x56: {  	_ =	shalt  }
0x57: {  	_ =	shalt  }
0x58: {  	_ =	shalt  }
0x59: {  	_ =	shalt  }
0x5a: {  	_ =	shalt  }
0x5b: {  	_ =	shalt  }
0x5c: {  	_ =	shalt  }
0x5d: {  	_ =	shalt  }
0x5e: {  	_ =	shalt  }
0x5f: {  	_ =	shalt  }
0x60: {  	_ =	shalt  }
0x61: {  	_ =	shalt  }
0x62: {  	_ =	shalt  }
0x63: {  	_ =	shalt  }
0x64: {  	_ =	shalt  }
0x65: {  	_ =	shalt  }
0x66: {  	_ =	shalt  }
0x67: {  	_ =	shalt  }
0x68: {  	_ =	shalt  }
0x69: {  	_ =	shalt  }
0x6a: {  	_ =	shalt  }
0x6b: {  	_ =	shalt  }
0x6c: {  	_ =	shalt  }
0x6d: {  	_ =	shalt  }
0x6e: {  	_ =	shalt  }
0x6f: {  	_ =	shalt  }
0x70: {  	_ =	shalt  }
0x71: {  	_ =	shalt  }
0x72: {  	_ =	shalt  }
0x73: {  	_ =	shalt  }
0x74: {  	_ =	shalt  }
0x75: {  	_ =	shalt  }
0x76: {  	_ =	shalt  }
0x77: {  	_ =	shalt  }
0x78: {  	_ =	shalt  }
0x79: {  	_ =	shalt  }
0x7a: {  	_ =	shalt  }
0x7b: {  	_ =	shalt  }
0x7c: {  	_ =	shalt  }
0x7d: {  	_ =	shalt  }
0x7e: {  	_ =	shalt  }
0x7f: {  	_ =	shalt  }
0x80: {  	_ =	shalt  }
0x81: {  	_ =	shalt  }
0x82: {  	_ =	shalt  }
0x83: {  	_ =	shalt  }
0x84: {  	_ =	shalt  }
0x85: {  	_ =	shalt  }
0x86: {  	_ =	shalt  }
0x87: {  	_ =	shalt  }
.Lfunc_end0:
.L_simem_size_0:
called_computation_lowered:
.L_overlay_start_0:
0x88: {  	s2 =	sld [smem:$0x3FD9]  }
0x89: {  	s3 =	sld [smem:$0x3FFE];
	_ =	sdelay $0x1  }
0x8a: {  	s1 =	srdreg.scid  }
0x8b: {  	s0 =	sand.u32 $0x1, s1  }
0x8c: {  	s17 =	sshll.u32 s0, $0xA;
	s2 =	sadd.s32 s3, s2  }
0x8d: {  	s2 =	sadd.s32 s2, s17  }
0x8e: {  	[smem:$0x3FC2] =	sst s2  }
0x8f: {  	_ = 	snop  }
0x90: {  	s2 =	sld [smem:$0x3FC9]  }
0x91: {  	s18 =	sld [smem:$0x3FD0];
	(tm) =	ssettm $0x1  }
0x92: {  	s4 =	sld [smem:$0x3FFB];
	_ =	sdelay $0x3  }
0x93: {  	_ =	strace s4  }
0x94: {  	s4 =	sld [smem:$0x3FFC];
	_ =	sdelay $0x3  }
0x95: {  	_ =	strace s4  }
0x96: {  	s4 =	sld [smem:$0x3FFD];
	_ =	sdelay $0x3  }
0x97: {  	_ =	strace s4  }
0x98: {  	_ =	strace $0x8FFFFFFF  }
0x99: {  	s19 =	sld [smem:$0x3FDB];
	_ =	sdelay $0x1  }
0x9a: {  	s5 =	simm.s32 $_scs_section_size  }
0x9b: {  	s6 =	simm.s32 $_size__tile_overlayer_lowered;
	s7 =	simm.s32 $_tile_overlayer_lowered  }
0x9c: {  	s22 =	simm.s32 $0x1BFF;
	s21 =	sshll.u32 s7, $0x1;
	s4 =	sadd.s32 s5, s19  }
0x9d: {  	s8 =	simm.s32 $0x0;
	s20 =	sshll.u32 s6, $0x1;
	s6 =	sadd.s32 s21, s4  }
0x9e: {  	[timem:s8], [sflag:s22] =	dma.local [hbm:s6], s20  }
0x9f: {  	_ =	swait.ge [sflag:s22], s20  }
0xa0: {  	s5 =	ssub.s32 $0x0, s20;
	[sflag:s22] =	ssyncset.done $0x0  }
0xa1: {  	[sflag:s22] =	ssyncadd.s32 s5;
	_ =	sdelay $0x1  }
0xa2: {  	s23 =	simm.s32 $0x1B8B  }
0xa3: {  	_ =	swait.ge [sflag:s23], $0x1  }
0xa4: {  	[sflag:s23] =	ssyncset.done $0x0  }
0xa5: {  	s25 =	simm.s32 $0x1B8E;
	s24 =	sld [smem:$0x3FFE];
	[sflag:s23] =	ssyncadd.s32 $0xFFFFFFFF  }
0xa6: {  	s26 =	simm.s32 $execute0_lowered;
	[smem:$0x3FD2] =	sst s25  }
0xa7: {  	s6 =	sshll.u32 s26, $0x1;
	_ =	strace $0x80000046;
	[dreg:$0x1] =	wrdreg $0xFFFFFFFF  }
0xa8: {  	s28 =	simm.s32 $_size_execute0_lowered;
	s4 =	sadd.s32 s4, s6;
	[dreg:$0x0] =	wrdreg $0x0  }
0xa9: {  	s6 =	sshll.u32 s28, $0x1;
	[dreg:$0x2] =	wrdreg s4  }
0xaa: {  	[dreg:$0x3] =	wrdreg s6  }
0xab: {  	[dreg:$0x4] =	wrdreg $0xC0  }
0xac: {  	_ =	task [dreg:s8], $0x5FFFF  }
0xad: {  	[dreg:$0x1] =	wrdreg $0xFFFFFFFF  }
0xae: {  	[dreg:$0x0] =	wrdreg $0x60  }
0xaf: {  	[dreg:$0x2] =	wrdreg s2  }
0xb0: {  	[dreg:$0x3] =	wrdreg s24  }
0xb1: {  	[dreg:$0x4] =	wrdreg s18  }
0xb2: {  	[dreg:$0x5] =	wrdreg $0x9  }
0xb3: {  	_ =	task.clear_ibuf [dreg:s8], $0x6FFFF;
	_ =	strace $0x90000046  }
0xb4: {  	s29 =	simm.s32 $0x9;
	_ =	strace $0x80000048  }
0xb5: {  	_ =	swait.ge [sflag:s29], $0x1  }
0xb6: {  	[sflag:s29] =	ssyncadd.s32 $0xFFFFFFFF  }
0xb7: {  	_ =	strace $0x90000048  }
0xb8: {  	_ =	sfence  }
0xb9: {  	s30 =	sld [smem:$0x0];
	_ =	sdelay $0x2  }
0xba: {  	s31 =	sshll.u32 s1, $0xD;
	s1 =	sshrl.u32 s1, $0x2  }
0xbb: {  	s3 =	sand.u32 $0x4000, s31;
	s1 =	sadd.s32 s1, s30  }
0xbc: {  	s0 =	sor.u32 s3, s0;
	s1 =	sshll.u32 s1, $0x11  }
0xbd: {  	s0 =	sor.u32 s1, s0  }
0xbe: {  	s0 =	sadd.s32 $0x8F2B, s0  }
0xbf: {  	[sflag:s0] =	ssyncadd.remote.s32 $0x1  }
0xc0: {  	_ =	sfence.sel $0xFFFF  }
0xc1: {  	[dreg:$0x0] =	wrdreg $0xFFFFFFFF;
	(pc) =	sbr.abs _section_cstart, $3  }
0xc2: {  	[dreg:$0x1] =	wrdreg $0xFFFFFFFF  }
0xc3: {  	_ =	task.clear_ibuf [dreg:s8], $0x2FFFF;
	_ =	strace $0x9FFFFFFF  }
0xc4: {  	(tm) =	ssettm $0x7FFFFFFF  }
0xc5: {  	_ =	shalt  }
tec
execute0_lowered:
.L_overlay_start_1:
0x0: {  	(tag) =	ssettag $0x1  }
0x1: {  	s1 =	rddreg [dreg:$0x0]  }
0x2: {  	s2 =	srdreg.scid;
	s4 =	rddreg [dreg:$0x1]  }
0x3: {  	s0 =	stileid.u32;
	s3 =	rddreg [dreg:$0x2]  }
0x4: {  	s18 =	simm.s32 $0x900;
	s19 =	simm.s32 $0x1100;
	s20 =	simm.s32 $0x1900  }
0x5: {  	s21 =	simm.s32 $0x2100;
	s23 =	simm.s32 $0x2900;
	s24 =	simm.s32 $0x3100  }
0x6: {  	s25 =	simm.s32 $0x3900;
	s26 =	simm.s32 $0x4100;
	s9 =	simm.s32 $0x5100  }
0x7: {  	s10 =	simm.s32 $0x5900;
	s5 =	sand.u32 $0x1, s2;
	s2 =	simm.s32 $0x0  }
0x8: {  	s11 =	simm.s32 $0x6100;
	s12 =	simm.s32 $0x6900;
	[smem:$0x7FF] =	sst s2  }
0x9: {  	s13 =	simm.s32 $0x7100;
	_ =	strace $0x80000047;
	[dreg:$0x6] =	wrdreg s18  }
0xa: {  	s14 =	simm.s32 $0x7900;
	s15 =	simm.s32 $0x8100;
	[dreg:$0x7] =	wrdreg s19  }
0xb: {  	s16 =	simm.s32 $0x8900;
	s28 =	simm.s32 $0xE100;
	[dreg:$0x8] =	wrdreg s20  }
0xc: {  	s29 =	simm.s32 $0xE900;
	s30 =	simm.s32 $0xF100;
	[dreg:$0x9] =	wrdreg s21  }
0xd: {  	s31 =	simm.s32 $0xF900;
	s6 =	sshll.u32 s0, $0x8;
	[dreg:$0xa] =	wrdreg s23  }
0xe: {  	s7 =	sshll.u32 s5, $0x7;
	s5 =	ssub.s32 $0x2, s5;
	[dreg:$0xb] =	wrdreg s24  }
0xf: {  	s6 =	sor.u32 s7, s6;
	s22 =	sshrl.u32 s5, $0x1;
	[dreg:$0xc] =	wrdreg s25  }
0x10: {  	[dreg:$0xd] =	wrdreg s26;
	s18 =	simm.s32 $0x9900;
	s19 =	simm.s32 $0xA100  }
0x11: {  	s20 =	simm.s32 $0xA900;
	s21 =	simm.s32 $0xB100;
	s23 =	simm.s32 $0xC100  }
0x12: {  	s24 =	simm.s32 $0xC900;
	s25 =	simm.s32 $0xD100;
	s26 =	simm.s32 $0xD900  }
0x13: {  	s7 =	sshrl.u32 s6, $0x3;
	s6 =	sshll.u32 s6, $0x6;
	s5 =	ssub.s32 s5, s22  }
0x14: {  	s22 =	simm.s32 $0xB900;
	s1 =	sadd.s32 s1, s7;
	s17 =	sadd.s32 s3, s6  }
0x15: {  	v2 =	vlaneseq.u32;
	s3 =	sadd.s32 $0x1000, s4;
	s4 =	sadd.s32 $0x1100, s4;
	s5 =	smax.u32 s5, $0x1  }
0x16: {  	vm0 =	vmmov $0xffff;
	v1 =	vshrl.u32 v2, $0x3;
	s6 =	simm.s32 $0x2;
	s7 =	simm.s32 $0x100;
	[dreg:$0x4] =	wrdreg s1  }
0x17: {  	v0 =	vand.u32 $0x7, v2;
	v2 =	vor.u32 $0x8, v2;
	v1 =	vmul.u32 $0x8, v1;
	[dreg:$0x5] =	wrdreg s17;
	s17 =	simm.s32 $0x9100;
	s1 =	simm.s32 $0x1  }
.LBB2_1:
0x18: {  	s0 =	rddreg [dreg:$0x4]  }
0x19: {  	[tilespmem:s2], [sflag:$0x2] =	stream.linear.gather [hbm4b:s0+s2], $0x80, $0x38;
	[tilespmem:$0x10100] =	vst v63  }
0x1a: {  	_ =	swait.ge [sflag:s6], $0x80  }
0x1b: {  	[sflag:s6] =	ssyncset.done $0x0  }
0x1c: {  	[sflag:s6] =	ssyncadd.s32 $0xFFFFFF80  }
0x1d: {  	v3 =	vld [tilespmem:$0x0]  }
0x1e: {  	v4 =	vld [tilespmem:$0x10]  }
0x1f: {  	v5 =	vld [tilespmem:$0x20]  }
0x20: {  	v6 =	vld [tilespmem:$0x30]  }
0x21: {  	v7 =	vld [tilespmem:$0x40]  }
0x22: {  	v8 =	vld [tilespmem:$0x50]  }
0x23: {  	v9 =	vld [tilespmem:$0x60]  }
0x24: {  	v10 =	vld [tilespmem:$0x70];
	v3 =	vmul.f32 $1.000000000e+03, v3  }
0x25: {  	v4 =	vmul.f32 $1.000000000e+03, v4;
	v5 =	vmul.f32 $1.000000000e+03, v5  }
0x26: {  	v6 =	vmul.f32 $1.000000000e+03, v6;
	v7 =	vmul.f32 $1.000000000e+03, v7  }
0x27: {  	v8 =	vmul.f32 $1.000000000e+03, v8;
	v3 =	vtrunc.f32 v3  }
0x28: {  	v50 =	vmul.f32 $1.000000000e+03, v9;
	v3 =	vcvt.f32.s32 v3  }
0x29: {  	v53 =	vmul.f32 $1.000000000e+03, v10;
	v4 =	vtrunc.f32 v4  }
0x2a: {  	v5 =	vtrunc.f32 v5;
	v6 =	vtrunc.f32 v6;
	v11 =	vshll.u32 v3, $0x2  }
0x2b: {  	v4 =	vcvt.f32.s32 v4;
	v12 =	vand.u32 $0x7, v3;
	v11 =	vand.u32 $0xFFFFFFE0, v11  }
0x2c: {  	v7 =	vtrunc.f32 v7;
	v5 =	vcvt.f32.s32 v5;
	[tilespmem:$0x80] =	vst v3;
	v3 =	vor.u32 v12, v11  }
0x2d: {  	v6 =	vcvt.f32.s32 v6;
	[tilespmem:$0x90] =	vst v4;
	v51 =	vperm.xlane v3, v0  }
0x2e: {  	v55 =	vtrunc.f32 v53;
	v7 =	vcvt.f32.s32 v7;
	[tilespmem:$0xA0] =	vst v5  }
0x2f: {  	v52 =	vtrunc.f32 v8;
	v56 =	vcvt.f32.s32 v55;
	[tilespmem:$0xB0] =	vst v6;
	v54 =	vadd.s32 v1, v51  }
0x30: {  	v5 =	vcvt.f32.s32 v52;
	v4 =	vtrunc.f32 v50;
	[tilespmem:$0xC0] =	vst v7  }
0x31: {  	[tilespmem:$0xF0] =	vst v56;
	v4 =	vcvt.f32.s32 v4;
	v3 =	vperm.xlane v3, v2  }
0x32: {  	[tilespmem:$0xD0] =	vst v5  }
0x33: {  	[tilespmem:$0xE0] =	vst v4;
	v3 =	vadd.s32 v1, v3  }
0x34: {  	[tilespmem:s7], [sflag:$0x1] =	stream.indirect_vreg.gather [hbm4b:s3+s2], $0x80, v54, vm0, $0xb8;
	[tilespmem:$0x10100] =	vst v63  }
0x35: {  	s0 =	rddreg [dreg:$0x6]  }
0x36: {  	[tilespmem:s0], [sflag:$0x1] =	stream.indirect_vreg.gather [hbm4b:s4+s2], $0x80, v54, vm0, $0xb8;
	[tilespmem:$0x10100] =	vst v63  }
0x37: {  	s8 =	rddreg [dreg:$0x7]  }
0x38: {  	[tilespmem:s8], [sflag:$0x1] =	stream.indirect_vreg.gather [hbm4b:s3+s2], $0x80, v3, vm0, $0xb8;
	[tilespmem:$0x10100] =	vst v63  }
0x39: {  	s0 =	rddreg [dreg:$0x8]  }
0x3a: {  	[tilespmem:s0], [sflag:$0x1] =	stream.indirect_vreg.gather [hbm4b:s4+s2], $0x80, v3, vm0, $0xb8;
	[tilespmem:$0x10100] =	vst v63  }
0x3b: {  	v3 =	vld [tilespmem:$0x90];
	_ =	sdelay $0x4  }
0x3c: {  	v57 =	vshll.u32 v3, $0x2  }
0x3d: {  	v3 =	vand.u32 $0x7, v3;
	v4 =	vand.u32 $0xFFFFFFE0, v57  }
0x3e: {  	v3 =	vor.u32 v3, v4  }
0x3f: {  	v4 =	vperm.xlane v3, v0;
	_ =	sdelay $0x1  }
0x40: {  	v4 =	vadd.s32 v1, v4;
	_ =	sdelay $0x1  }
0x41: {  	v3 =	vperm.xlane v3, v2;
	_ =	sdelay $0x1  }
0x42: {  	s0 =	rddreg [dreg:$0x9];
	v3 =	vadd.s32 v1, v3  }
0x43: {  	[tilespmem:s0], [sflag:$0x1] =	stream.indirect_vreg.gather [hbm4b:s3+s2], $0x80, v4, vm0, $0xb8;
	[tilespmem:$0x10100] =	vst v63  }
0x44: {  	s8 =	rddreg [dreg:$0xa]  }
0x45: {  	[tilespmem:s8], [sflag:$0x1] =	stream.indirect_vreg.gather [hbm4b:s4+s2], $0x80, v4, vm0, $0xb8;
	[tilespmem:$0x10100] =	vst v63  }
0x46: {  	s0 =	rddreg [dreg:$0xb]  }
0x47: {  	[tilespmem:s0], [sflag:$0x1] =	stream.indirect_vreg.gather [hbm4b:s3+s2], $0x80, v3, vm0, $0xb8;
	[tilespmem:$0x10100] =	vst v63  }
0x48: {  	s8 =	rddreg [dreg:$0xc]  }
0x49: {  	[tilespmem:s8], [sflag:$0x1] =	stream.indirect_vreg.gather [hbm4b:s4+s2], $0x80, v3, vm0, $0xb8;
	[tilespmem:$0x10100] =	vst v63  }
0x4a: {  	v3 =	vld [tilespmem:$0xA0];
	_ =	sdelay $0x4  }
0x4b: {  	v58 =	vshll.u32 v3, $0x2  }
0x4c: {  	v3 =	vand.u32 $0x7, v3;
	v4 =	vand.u32 $0xFFFFFFE0, v58  }
0x4d: {  	v3 =	vor.u32 v3, v4  }
0x4e: {  	v4 =	vperm.xlane v3, v0;
	_ =	sdelay $0x1  }
0x4f: {  	v4 =	vadd.s32 v1, v4;
	_ =	sdelay $0x1  }
0x50: {  	v3 =	vperm.xlane v3, v2;
	_ =	sdelay $0x1  }
0x51: {  	s8 =	rddreg [dreg:$0xd];
	v3 =	vadd.s32 v1, v3  }
0x52: {  	[tilespmem:s8], [sflag:$0x1] =	stream.indirect_vreg.gather [hbm4b:s3+s2], $0x80, v4, vm0, $0xb8;
	[tilespmem:$0x10100] =	vst v63  }
0x53: {  	s8 =	simm.s32 $0x4900  }
0x54: {  	[tilespmem:s8], [sflag:$0x1] =	stream.indirect_vreg.gather [hbm4b:s4+s2], $0x80, v4, vm0, $0xb8;
	[tilespmem:$0x10100] =	vst v63  }
0x55: {  	_ = 	snop  }
0x56: {  	[tilespmem:s9], [sflag:$0x1] =	stream.indirect_vreg.gather [hbm4b:s3+s2], $0x80, v3, vm0, $0xb8;
	[tilespmem:$0x10100] =	vst v63  }
0x57: {  	_ = 	snop  }
0x58: {  	[tilespmem:s10], [sflag:$0x1] =	stream.indirect_vreg.gather [hbm4b:s4+s2], $0x80, v3, vm0, $0xb8;
	[tilespmem:$0x10100] =	vst v63  }
0x59: {  	v3 =	vld [tilespmem:$0xB0];
	_ =	sdelay $0x4  }
0x5a: {  	v59 =	vshll.u32 v3, $0x2  }
0x5b: {  	v3 =	vand.u32 $0x7, v3;
	v4 =	vand.u32 $0xFFFFFFE0, v59  }
0x5c: {  	v3 =	vor.u32 v3, v4  }
0x5d: {  	v4 =	vperm.xlane v3, v0;
	_ =	sdelay $0x1  }
0x5e: {  	v4 =	vadd.s32 v1, v4;
	_ =	sdelay $0x1  }
0x5f: {  	v3 =	vperm.xlane v3, v2;
	_ =	sdelay $0x1  }
0x60: {  	v3 =	vadd.s32 v1, v3  }
0x61: {  	[tilespmem:s11], [sflag:$0x1] =	stream.indirect_vreg.gather [hbm4b:s3+s2], $0x80, v4, vm0, $0xb8;
	[tilespmem:$0x10100] =	vst v63  }
0x62: {  	_ = 	snop  }
0x63: {  	[tilespmem:s12], [sflag:$0x1] =	stream.indirect_vreg.gather [hbm4b:s4+s2], $0x80, v4, vm0, $0xb8;
	[tilespmem:$0x10100] =	vst v63  }
0x64: {  	_ = 	snop  }
0x65: {  	[tilespmem:s13], [sflag:$0x1] =	stream.indirect_vreg.gather [hbm4b:s3+s2], $0x80, v3, vm0, $0xb8;
	[tilespmem:$0x10100] =	vst v63  }
0x66: {  	_ = 	snop  }
0x67: {  	[tilespmem:s14], [sflag:$0x1] =	stream.indirect_vreg.gather [hbm4b:s4+s2], $0x80, v3, vm0, $0xb8;
	[tilespmem:$0x10100] =	vst v63  }
0x68: {  	v3 =	vld [tilespmem:$0xC0];
	_ =	sdelay $0x4  }
0x69: {  	v60 =	vshll.u32 v3, $0x2  }
0x6a: {  	v3 =	vand.u32 $0x7, v3;
	v4 =	vand.u32 $0xFFFFFFE0, v60  }
0x6b: {  	v3 =	vor.u32 v3, v4  }
0x6c: {  	v4 =	vperm.xlane v3, v0;
	_ =	sdelay $0x1  }
0x6d: {  	v4 =	vadd.s32 v1, v4;
	_ =	sdelay $0x1  }
0x6e: {  	v3 =	vperm.xlane v3, v2;
	_ =	sdelay $0x1  }
0x6f: {  	v3 =	vadd.s32 v1, v3  }
0x70: {  	[tilespmem:s15], [sflag:$0x1] =	stream.indirect_vreg.gather [hbm4b:s3+s2], $0x80, v4, vm0, $0xb8;
	[tilespmem:$0x10100] =	vst v63  }
0x71: {  	_ = 	snop  }
0x72: {  	[tilespmem:s16], [sflag:$0x1] =	stream.indirect_vreg.gather [hbm4b:s4+s2], $0x80, v4, vm0, $0xb8;
	[tilespmem:$0x10100] =	vst v63  }
0x73: {  	_ = 	snop  }
0x74: {  	[tilespmem:s17], [sflag:$0x1] =	stream.indirect_vreg.gather [hbm4b:s3+s2], $0x80, v3, vm0, $0xb8;
	[tilespmem:$0x10100] =	vst v63  }
0x75: {  	_ = 	snop  }
0x76: {  	[tilespmem:s18], [sflag:$0x1] =	stream.indirect_vreg.gather [hbm4b:s4+s2], $0x80, v3, vm0, $0xb8;
	[tilespmem:$0x10100] =	vst v63  }
0x77: {  	v3 =	vld [tilespmem:$0xD0];
	_ =	sdelay $0x4  }
0x78: {  	v61 =	vshll.u32 v3, $0x2  }
0x79: {  	v3 =	vand.u32 $0x7, v3;
	v4 =	vand.u32 $0xFFFFFFE0, v61  }
0x7a: {  	v3 =	vor.u32 v3, v4  }
0x7b: {  	v4 =	vperm.xlane v3, v0;
	_ =	sdelay $0x1  }
0x7c: {  	v4 =	vadd.s32 v1, v4;
	_ =	sdelay $0x1  }
0x7d: {  	v3 =	vperm.xlane v3, v2;
	_ =	sdelay $0x1  }
0x7e: {  	v3 =	vadd.s32 v1, v3  }
0x7f: {  	[tilespmem:s19], [sflag:$0x1] =	stream.indirect_vreg.gather [hbm4b:s3+s2], $0x80, v4, vm0, $0xb8;
	[tilespmem:$0x10100] =	vst v63  }
0x80: {  	_ = 	snop  }
0x81: {  	[tilespmem:s20], [sflag:$0x1] =	stream.indirect_vreg.gather [hbm4b:s4+s2], $0x80, v4, vm0, $0xb8;
	[tilespmem:$0x10100] =	vst v63  }
0x82: {  	_ = 	snop  }
0x83: {  	[tilespmem:s21], [sflag:$0x1] =	stream.indirect_vreg.gather [hbm4b:s3+s2], $0x80, v3, vm0, $0xb8;
	[tilespmem:$0x10100] =	vst v63  }
0x84: {  	_ = 	snop  }
0x85: {  	[tilespmem:s22], [sflag:$0x1] =	stream.indirect_vreg.gather [hbm4b:s4+s2], $0x80, v3, vm0, $0xb8;
	[tilespmem:$0x10100] =	vst v63  }
0x86: {  	v3 =	vld [tilespmem:$0xE0];
	_ =	sdelay $0x4  }
0x87: {  	v62 =	vshll.u32 v3, $0x2  }
0x88: {  	v3 =	vand.u32 $0x7, v3;
	v4 =	vand.u32 $0xFFFFFFE0, v62  }
0x89: {  	v3 =	vor.u32 v3, v4  }
0x8a: {  	v4 =	vperm.xlane v3, v0;
	_ =	sdelay $0x1  }
0x8b: {  	v4 =	vadd.s32 v1, v4;
	_ =	sdelay $0x1  }
0x8c: {  	v3 =	vperm.xlane v3, v2;
	_ =	sdelay $0x1  }
0x8d: {  	v3 =	vadd.s32 v1, v3  }
0x8e: {  	[tilespmem:s23], [sflag:$0x1] =	stream.indirect_vreg.gather [hbm4b:s3+s2], $0x80, v4, vm0, $0xb8;
	[tilespmem:$0x10100] =	vst v63  }
0x8f: {  	_ = 	snop  }
0x90: {  	[tilespmem:s24], [sflag:$0x1] =	stream.indirect_vreg.gather [hbm4b:s4+s2], $0x80, v4, vm0, $0xb8;
	[tilespmem:$0x10100] =	vst v63  }
0x91: {  	_ = 	snop  }
0x92: {  	[tilespmem:s25], [sflag:$0x1] =	stream.indirect_vreg.gather [hbm4b:s3+s2], $0x80, v3, vm0, $0xb8;
	[tilespmem:$0x10100] =	vst v63  }
0x93: {  	_ = 	snop  }
0x94: {  	[tilespmem:s26], [sflag:$0x1] =	stream.indirect_vreg.gather [hbm4b:s4+s2], $0x80, v3, vm0, $0xb8;
	[tilespmem:$0x10100] =	vst v63  }
0x95: {  	v3 =	vld [tilespmem:$0xF0];
	_ =	sdelay $0x4  }
0x96: {  	v63 =	vshll.u32 v3, $0x2  }
0x97: {  	v3 =	vand.u32 $0x7, v3;
	v4 =	vand.u32 $0xFFFFFFE0, v63  }
0x98: {  	v3 =	vor.u32 v3, v4  }
0x99: {  	v4 =	vperm.xlane v3, v0;
	_ =	sdelay $0x1  }
0x9a: {  	v4 =	vadd.s32 v1, v4;
	_ =	sdelay $0x1  }
0x9b: {  	v3 =	vperm.xlane v3, v2;
	_ =	sdelay $0x1  }
0x9c: {  	v3 =	vadd.s32 v1, v3  }
0x9d: {  	[tilespmem:s28], [sflag:$0x1] =	stream.indirect_vreg.gather [hbm4b:s3+s2], $0x80, v4, vm0, $0xb8;
	[tilespmem:$0x10100] =	vst v63  }
0x9e: {  	_ = 	snop  }
0x9f: {  	[tilespmem:s29], [sflag:$0x1] =	stream.indirect_vreg.gather [hbm4b:s4+s2], $0x80, v4, vm0, $0xb8;
	[tilespmem:$0x10100] =	vst v63  }
0xa0: {  	_ = 	snop  }
0xa1: {  	[tilespmem:s30], [sflag:$0x1] =	stream.indirect_vreg.gather [hbm4b:s3+s2], $0x80, v3, vm0, $0xb8;
	[tilespmem:$0x10100] =	vst v63  }
0xa2: {  	_ = 	snop  }
0xa3: {  	[tilespmem:s31], [sflag:$0x1] =	stream.indirect_vreg.gather [hbm4b:s4+s2], $0x80, v3, vm0, $0xb8;
	[tilespmem:$0x10100] =	vst v63  }
0xa4: {  	_ =	swait.ge [sflag:s1], $0x10000  }
0xa5: {  	p0 =	sne.s32 s5, $0x1;
	[sflag:s1] =	ssyncset.done $0x0  }
.Ltmp0:
0xa6: {  	s8 =	rddreg [dreg:$0x5];
	[sflag:s1] =	ssyncadd.s32 $0xFFFF0000;
	(pc) =	sbr.rel @p0 .LBB2_1-.Ltmp0, $4  }
0xa7: {  	[hbm4b:s8+s2] =	stream.linear.scatter [tilespmem:s7], [sflag:$0x2], $0x10000, $0x38;
	[tilespmem:$0x10100] =	vst v63  }
0xa8: {  	_ =	swait.ge [sflag:s6], $0x10000  }
0xa9: {  	[sflag:s6] =	ssyncset.done $0x0  }
0xaa: {  	s5 =	sadd.s32 $0xFFFFFFFF, s5;
	[sflag:s6] =	ssyncadd.s32 $0xFFFF0000  }
0xab: {  	_ =	sfence.sel $0x180000  }
0xac: {  	[bflag:$0x0] =	sbarrier.arrive $0xFFFF  }
0xad: {  	_ =	strace $0x90000047  }
0xae: {  	s0 =	stileid.u32;
	[bflag:$0x2] =	sbarrier.arrive $0xFFFF  }
0xaf: {  	p0 =	sne.s32 s0, $0x0;
	s0 =	rddreg [dreg:$0x3]  }
0xb0: {  	s0 =	sadd.s32 @!p0 $0x100000, s0  }
0xb1: {  	[sflag:s0] =	ssyncadd.tile.s32 @!p0 $0x1;
	_ =	shalt  }
.Lfunc_end2:
_tile_overlayer_lowered:
.L_overlay_start_2:
0xb2: {  	(tag) =	ssettag $0x2  }
0xb3: {  	s0 =	rddreg [dreg:$0x0];
	s2 =	stileid.u32  }
0xb4: {  	s1 =	rddreg [dreg:$0x1];
	p0 =	sne.s32 s2, $0x0  }
0xb5: {  	s3 =	rddreg [dreg:$0x2];
	[bflag:$0x3] =	sbarrier.arrive $0xFFFF;
	s2 =	simm.s32 @!p0 $0x1C02  }
0xb6: {  	[timem:s3], [sflag:s2] =	dma.local @!p0 [hbm:s0], s1  }
0xb7: {  	s0 =	simm.s32 @!p0 $0x2  }
0xb8: {  	_ =	swait.ge @!p0 [sflag:s0], s1  }
0xb9: {  	s1 =	ssub.s32 @!p0 $0x0, s1;
	[sflag:s0] =	ssyncset.done @!p0 $0x0  }
0xba: {  	[sflag:s0] =	ssyncadd.s32 @!p0 s1  }
0xbb: {  	[bflag:$0x3] =	sbarrier.arrive $0xFFFF  }
0xbc: {  	_ =	shalt  }

</sc_bundles>
